<compile_context>
chip_gen: v7x
topology: tpu7x:2x2x1
jax: 0.10.2.dev20260603
libtpu: 0.0.44.dev20260713+nightly
codegen_flags: <defaults>
</compile_context>

<pallas_src>
import functools

import jax
import jax.numpy as jnp
from jax import lax
from jax.experimental import pallas as pl
from jax.experimental.pallas import tpu as pltpu
from jax.experimental.pallas import tpu_sc as plsc

_LANES = 128


def _sc_dims():
    try:
        info = plsc.get_sparse_core_info()
        return info.num_cores, info.num_subcores
    except Exception:
        return 2, 16


@functools.lru_cache(maxsize=None)
def _make_sc_gather(B, QP, NC, NS):
    NW = NC * NS
    CH = B // NW // _LANES
    QR = QP // _LANES
    mesh = plsc.VectorSubcoreMesh(core_axis_name="c", subcore_axis_name="s")

    @functools.partial(
        pl.kernel,
        out_type=(
            jax.ShapeDtypeStruct((B,), jnp.float32),
            jax.ShapeDtypeStruct((QR, _LANES), jnp.float32),
        ),
        mesh=mesh,
        scratch_types=(
            pltpu.VMEM((CH, _LANES), jnp.int32),
            pltpu.VMEM((CH, _LANES), jnp.float32),
            pltpu.VMEM((_LANES,), jnp.int32),
            pltpu.VMEM((_LANES,), jnp.float32),
            pltpu.SemaphoreType.DMA,
            pltpu.SemaphoreType.DMA,
        ),
    )
    def gather(stud_hbm, ques_hbm, abil_hbm, diff_hbm, sv_hbm, dv_hbm,
               sidx, srow, qidx, qrow, sem_s, sem_q):
        wid = lax.axis_index("s") * NC + lax.axis_index("c")
        pltpu.sync_copy(stud_hbm.at[wid], sidx)
        copies = [pltpu.async_copy(abil_hbm.at[sidx.at[j]], srow.at[j], sem_s)
                  for j in range(CH)]

        @pl.when(wid < QR)
        def _():
            pltpu.sync_copy(ques_hbm.at[wid], qidx)
            pltpu.async_copy(diff_hbm.at[qidx], qrow, sem_q).wait()
            pltpu.sync_copy(qrow, dv_hbm.at[wid])

        for c in copies:
            c.wait()
        for j in range(CH):
            pltpu.sync_copy(
                srow.at[j],
                sv_hbm.at[pl.ds(wid * CH * _LANES + j * _LANES, _LANES)])

    return gather


@functools.lru_cache(maxsize=None)
def _make_tc_dense(B, Q, QP, BS):
    QR = QP // _LANES

    def body(sv_ref, dv_ref, o_ref):
        sv = sv_ref[...]
        d = dv_ref[...]
        qi = jax.lax.broadcasted_iota(jnp.int32, (Q, QR), 0) // _LANES
        ji = jax.lax.broadcasted_iota(jnp.int32, (Q, QR), 1)
        p1 = (qi == ji).astype(jnp.float32)
        y = jnp.dot(p1, d, preferred_element_type=jnp.float32)
        ql = jax.lax.broadcasted_iota(jnp.int32, (Q, _LANES), 0) % _LANES
        ll = jax.lax.broadcasted_iota(jnp.int32, (Q, _LANES), 1)
        col = jnp.sum(jnp.where(ql == ll, y, 0.0), axis=1, keepdims=True)
        o_ref[...] = jax.nn.sigmoid(sv[None, :] - col)

    return pl.pallas_call(
        body,
        grid=(B // BS,),
        in_specs=[
            pl.BlockSpec((BS,), lambda i: (i,)),
            pl.BlockSpec((QR, _LANES), lambda i: (0, 0)),
        ],
        out_specs=pl.BlockSpec((Q, BS), lambda i: (0, i)),
        out_shape=jax.ShapeDtypeStruct((Q, B), jnp.float32),
    )


def kernel(students, questions, student_abilities, question_difficulties):
    B = students.shape[0]
    Q = questions.shape[0]
    NC, NS = _sc_dims()
    NW = NC * NS
    CH = B // NW // _LANES

    QP = -(-Q // _LANES) * _LANES

    stud = students.astype(jnp.int32).reshape(NW, CH, _LANES)
    ques = jnp.pad(questions.astype(jnp.int32), (0, QP - Q)).reshape(-1, _LANES)
    abil = student_abilities.reshape(-1)
    diff = question_difficulties.reshape(-1)

    sv, dv = _make_sc_gather(B, QP, NC, NS)(stud, ques, abil, diff)
    out_t = _make_tc_dense(B, Q, QP, 4096)(sv, dv)
    return jnp.transpose(out_t)

# --- scband reference (transcript-rebuilt; emitter-appended) ---
"""Pipeline reference for scband-rasch-model-89928025243850 (READ-ONLY COPY).

The authoritative reference and input builder live on the scoring server;
editing this copy changes nothing except your own understanding.
"""

import jax, jax.numpy as jnp
import numpy as np

NO_STUDENTS = 1000000
NO_QUESTIONS = 100000
B = 16384
Q = 200


def setup_inputs(seed: int = 0) -> dict:
    key = jax.random.key(seed)
    k1, k2, k3, k4 = jax.random.split(key, 4)
    students = jax.random.randint(k1, (B,), 0, NO_STUDENTS)
    questions = jax.random.randint(k2, (Q,), 0, NO_QUESTIONS)
    # Learned parameters, sized per initialize_weights(no_students, no_questions)
    student_abilities = jax.random.uniform(k3, (NO_STUDENTS, 1), dtype=jnp.float32)
    question_difficulties = jax.random.uniform(k4, (1, NO_QUESTIONS), dtype=jnp.float32)
    return {
        "students": students,
        "questions": questions,
        "student_abilities": student_abilities,
        "question_difficulties": question_difficulties,
    }


def reference(students, questions, student_abilities, question_difficulties):
    # student_abilities[students] -> gather rows, shape [B, 1]
    student_values = jnp.take(student_abilities, students, axis=0)
    # question_difficulties[:, questions] -> gather cols, shape [1, Q]
    difficulty_values = jnp.take(question_difficulties, questions, axis=1)
    # broadcasts to [B, Q]
    return jax.nn.sigmoid(student_values - difficulty_values)

if __name__ == "__main__":
    import jax
    _d = setup_inputs()
    print(jax.jit(kernel)(*tuple(_d.values())))

</pallas_src>

<mosaic_0001>
#map = affine_map<(d0, d1) -> (0, 0, 0)>
#map1 = affine_map<(d0, d1) -> (0, 0)>
#map2 = affine_map<(d0, d1) -> (0)>
module attributes {stable_mosaic.version = 14 : i64} {
  func.func @gather(%arg0: i32, %arg1: i32, %arg2: memref<32x4x128xi32, #tpu.memory_space<hbm>>, %arg3: memref<2x128xi32, #tpu.memory_space<hbm>>, %arg4: memref<1000000xf32, #tpu.memory_space<hbm>>, %arg5: memref<100000xf32, #tpu.memory_space<hbm>>, %arg6: memref<16384xf32, #tpu.memory_space<hbm>>, %arg7: memref<2x128xf32, #tpu.memory_space<hbm>>, %arg8: memref<4x128xi32, #tpu.memory_space<vmem>>, %arg9: memref<4x128xf32, #tpu.memory_space<vmem>>, %arg10: memref<128xi32, #tpu.memory_space<vmem>>, %arg11: memref<128xf32, #tpu.memory_space<vmem>>, %arg12: memref<!tpu.dma_semaphore, #tpu.memory_space<semaphore_mem>>, %arg13: memref<!tpu.dma_semaphore, #tpu.memory_space<semaphore_mem>>) attributes {dimension_semantics = [#tpu.dimension_semantics<core_parallel>, #tpu.dimension_semantics<subcore_parallel>], iteration_bounds = array<i64: 2, 16>, scalar_prefetch = 0 : i64, scratch_operands = 6 : i64, tpu.core_type = #tpu.core_type<sc_vector_subcore>, window_params = [{transform_indices = #map}, {transform_indices = #map1}, {transform_indices = #map2}, {transform_indices = #map2}, {transform_indices = #map2}, {transform_indices = #map1}]} {
    %mul3A = arith.constant 2 : i32
    %mul3A_0 = arith.muli %arg1, %mul3A : i32
    %add3A = arith.addi %mul3A_0, %arg0 : i32
    "tpu.region"() ({
      %run_scoped3A_108 = tpu.sem_alloc : memref<!tpu.dma_semaphore, #tpu.memory_space<semaphore_mem>>
      %dma_start3A_109 = arith.constant 0 : i32
      %dma_start3A_110 = arith.constant 0 : i32
      %dma_start3A_111 = tpu.memref_slice %arg2[%add3A, %dma_start3A_109, %dma_start3A_110] : memref<32x4x128xi32, #tpu.memory_space<hbm>> -> memref<1x4x128xi32, #tpu.memory_space<hbm>>
      %dma_start3A_112 = tpu.memref_squeeze %dma_start3A_111 : memref<1x4x128xi32, #tpu.memory_space<hbm>> -> memref<4x128xi32, #tpu.memory_space<hbm>>
      %dma_start3A_113 = arith.constant 0 : i32
      %dma_start3A_114 = arith.constant 0 : i32
      %dma_start3A_115 = tpu.memref_slice %arg2[%add3A, %dma_start3A_113, %dma_start3A_114] : memref<32x4x128xi32, #tpu.memory_space<hbm>> -> memref<1x4x128xi32, #tpu.memory_space<hbm>>
      %dma_start3A_116 = tpu.memref_squeeze %dma_start3A_115 : memref<1x4x128xi32, #tpu.memory_space<hbm>> -> memref<4x128xi32, #tpu.memory_space<hbm>>
      tpu.enqueue_dma source(%dma_start3A_116 : memref<4x128xi32, #tpu.memory_space<hbm>>) target(%arg8 : memref<4x128xi32, #tpu.memory_space<vmem>>) target_semaphore(%run_scoped3A_108 : memref<!tpu.dma_semaphore, #tpu.memory_space<semaphore_mem>>)
      %dma_wait3A_117 = arith.constant 0 : i32
      %dma_wait3A_118 = arith.constant 0 : i32
      %dma_wait3A_119 = tpu.memref_slice %arg2[%add3A, %dma_wait3A_117, %dma_wait3A_118] : memref<32x4x128xi32, #tpu.memory_space<hbm>> -> memref<1x4x128xi32, #tpu.memory_space<hbm>>
      %dma_wait3A_120 = tpu.memref_squeeze %dma_wait3A_119 : memref<1x4x128xi32, #tpu.memory_space<hbm>> -> memref<4x128xi32, #tpu.memory_space<hbm>>
      %dma_wait3A_121 = arith.constant 0 : i32
      %dma_wait3A_122 = arith.constant 0 : i32
      %dma_wait3A_123 = tpu.memref_slice %arg2[%add3A, %dma_wait3A_121, %dma_wait3A_122] : memref<32x4x128xi32, #tpu.memory_space<hbm>> -> memref<1x4x128xi32, #tpu.memory_space<hbm>>
      %dma_wait3A_124 = tpu.memref_squeeze %dma_wait3A_123 : memref<1x4x128xi32, #tpu.memory_space<hbm>> -> memref<4x128xi32, #tpu.memory_space<hbm>>
      tpu.wait_dma2 semaphore(%run_scoped3A_108 : memref<!tpu.dma_semaphore, #tpu.memory_space<semaphore_mem>>) src(%dma_wait3A_124 : memref<4x128xi32, #tpu.memory_space<hbm>>) dst(%arg8 : memref<4x128xi32, #tpu.memory_space<vmem>>)
      tpu.yield
    }) : () -> ()
    %dma_start3A = arith.constant 0 : i32
    %dma_start3A_1 = arith.constant 0 : i32
    %dma_start3A_2 = arith.constant 0 : i32
    %dma_start3A_3 = tpu.memref_slice %arg9[%dma_start3A_1, %dma_start3A_2] : memref<4x128xf32, #tpu.memory_space<vmem>> -> memref<1x128xf32, #tpu.memory_space<vmem>>
    %dma_start3A_4 = tpu.memref_squeeze %dma_start3A_3 : memref<1x128xf32, #tpu.memory_space<vmem>> -> memref<128xf32, #tpu.memory_space<vmem>>
    %dma_start3A_5 = arith.constant 0 : i32
    %dma_start3A_6 = tpu.memref_slice %arg8[%dma_start3A, %dma_start3A_5] : memref<4x128xi32, #tpu.memory_space<vmem>> -> memref<1x128xi32, #tpu.memory_space<vmem>>
    %dma_start3A_7 = tpu.memref_squeeze %dma_start3A_6 : memref<1x128xi32, #tpu.memory_space<vmem>> -> memref<128xi32, #tpu.memory_space<vmem>>
    %dma_start3A_8 = arith.constant 0 : i32
    %dma_start3A_9 = tpu.memref_slice %arg4[%dma_start3A_8] : memref<1000000xf32, #tpu.memory_space<hbm>> -> memref<1000000xf32, #tpu.memory_space<hbm>>
    tpu.enqueue_indirect_dma source(%dma_start3A_9 : memref<1000000xf32, #tpu.memory_space<hbm>>) target(%dma_start3A_4 : memref<128xf32, #tpu.memory_space<vmem>>) offsets(%dma_start3A_7 : memref<128xi32, #tpu.memory_space<vmem>>) semaphore(%arg12 : memref<!tpu.dma_semaphore, #tpu.memory_space<semaphore_mem>>)
    %dma_start3A_10 = arith.constant 1 : i32
    %dma_start3A_11 = arith.constant 1 : i32
    %dma_start3A_12 = arith.constant 0 : i32
    %dma_start3A_13 = tpu.memref_slice %arg9[%dma_start3A_11, %dma_start3A_12] : memref<4x128xf32, #tpu.memory_space<vmem>> -> memref<1x128xf32, #tpu.memory_space<vmem>>
    %dma_start3A_14 = tpu.memref_squeeze %dma_start3A_13 : memref<1x128xf32, #tpu.memory_space<vmem>> -> memref<128xf32, #tpu.memory_space<vmem>>
    %dma_start3A_15 = arith.constant 0 : i32
    %dma_start3A_16 = tpu.memref_slice %arg8[%dma_start3A_10, %dma_start3A_15] : memref<4x128xi32, #tpu.memory_space<vmem>> -> memref<1x128xi32, #tpu.memory_space<vmem>>
    %dma_start3A_17 = tpu.memref_squeeze %dma_start3A_16 : memref<1x128xi32, #tpu.memory_space<vmem>> -> memref<128xi32, #tpu.memory_space<vmem>>
    %dma_start3A_18 = arith.constant 0 : i32
    %dma_start3A_19 = tpu.memref_slice %arg4[%dma_start3A_18] : memref<1000000xf32, #tpu.memory_space<hbm>> -> memref<1000000xf32, #tpu.memory_space<hbm>>
    tpu.enqueue_indirect_dma source(%dma_start3A_19 : memref<1000000xf32, #tpu.memory_space<hbm>>) target(%dma_start3A_14 : memref<128xf32, #tpu.memory_space<vmem>>) offsets(%dma_start3A_17 : memref<128xi32, #tpu.memory_space<vmem>>) semaphore(%arg12 : memref<!tpu.dma_semaphore, #tpu.memory_space<semaphore_mem>>)
    %dma_start3A_20 = arith.constant 2 : i32
    %dma_start3A_21 = arith.constant 2 : i32
    %dma_start3A_22 = arith.constant 0 : i32
    %dma_start3A_23 = tpu.memref_slice %arg9[%dma_start3A_21, %dma_start3A_22] : memref<4x128xf32, #tpu.memory_space<vmem>> -> memref<1x128xf32, #tpu.memory_space<vmem>>
    %dma_start3A_24 = tpu.memref_squeeze %dma_start3A_23 : memref<1x128xf32, #tpu.memory_space<vmem>> -> memref<128xf32, #tpu.memory_space<vmem>>
    %dma_start3A_25 = arith.constant 0 : i32
    %dma_start3A_26 = tpu.memref_slice %arg8[%dma_start3A_20, %dma_start3A_25] : memref<4x128xi32, #tpu.memory_space<vmem>> -> memref<1x128xi32, #tpu.memory_space<vmem>>
    %dma_start3A_27 = tpu.memref_squeeze %dma_start3A_26 : memref<1x128xi32, #tpu.memory_space<vmem>> -> memref<128xi32, #tpu.memory_space<vmem>>
    %dma_start3A_28 = arith.constant 0 : i32
    %dma_start3A_29 = tpu.memref_slice %arg4[%dma_start3A_28] : memref<1000000xf32, #tpu.memory_space<hbm>> -> memref<1000000xf32, #tpu.memory_space<hbm>>
    tpu.enqueue_indirect_dma source(%dma_start3A_29 : memref<1000000xf32, #tpu.memory_space<hbm>>) target(%dma_start3A_24 : memref<128xf32, #tpu.memory_space<vmem>>) offsets(%dma_start3A_27 : memref<128xi32, #tpu.memory_space<vmem>>) semaphore(%arg12 : memref<!tpu.dma_semaphore, #tpu.memory_space<semaphore_mem>>)
    %dma_start3A_30 = arith.constant 3 : i32
    %dma_start3A_31 = arith.constant 3 : i32
    %dma_start3A_32 = arith.constant 0 : i32
    %dma_start3A_33 = tpu.memref_slice %arg9[%dma_start3A_31, %dma_start3A_32] : memref<4x128xf32, #tpu.memory_space<vmem>> -> memref<1x128xf32, #tpu.memory_space<vmem>>
    %dma_start3A_34 = tpu.memref_squeeze %dma_start3A_33 : memref<1x128xf32, #tpu.memory_space<vmem>> -> memref<128xf32, #tpu.memory_space<vmem>>
    %dma_start3A_35 = arith.constant 0 : i32
    %dma_start3A_36 = tpu.memref_slice %arg8[%dma_start3A_30, %dma_start3A_35] : memref<4x128xi32, #tpu.memory_space<vmem>> -> memref<1x128xi32, #tpu.memory_space<vmem>>
    %dma_start3A_37 = tpu.memref_squeeze %dma_start3A_36 : memref<1x128xi32, #tpu.memory_space<vmem>> -> memref<128xi32, #tpu.memory_space<vmem>>
    %dma_start3A_38 = arith.constant 0 : i32
    %dma_start3A_39 = tpu.memref_slice %arg4[%dma_start3A_38] : memref<1000000xf32, #tpu.memory_space<hbm>> -> memref<1000000xf32, #tpu.memory_space<hbm>>
    tpu.enqueue_indirect_dma source(%dma_start3A_39 : memref<1000000xf32, #tpu.memory_space<hbm>>) target(%dma_start3A_34 : memref<128xf32, #tpu.memory_space<vmem>>) offsets(%dma_start3A_37 : memref<128xi32, #tpu.memory_space<vmem>>) semaphore(%arg12 : memref<!tpu.dma_semaphore, #tpu.memory_space<semaphore_mem>>)
    %lt3A = arith.constant 2 : i32
    %lt3A_40 = arith.cmpi slt, %add3A, %lt3A : i32
    %convert_element_type3A = arith.extui %lt3A_40 : i1 to i32
    %cond3A = arith.constant 0 : i32
    %cond3A_41 = arith.cmpi ne, %convert_element_type3A, %cond3A : i32
    scf.if %cond3A_41 {
      "tpu.region"() ({
        %run_scoped3A_112 = tpu.sem_alloc : memref<!tpu.dma_semaphore, #tpu.memory_space<semaphore_mem>>
        %dma_start3A_113 = arith.constant 0 : i32
        %dma_start3A_114 = tpu.memref_slice %arg3[%add3A, %dma_start3A_113] : memref<2x128xi32, #tpu.memory_space<hbm>> -> memref<1x128xi32, #tpu.memory_space<hbm>>
        %dma_start3A_115 = tpu.memref_squeeze %dma_start3A_114 : memref<1x128xi32, #tpu.memory_space<hbm>> -> memref<128xi32, #tpu.memory_space<hbm>>
        %dma_start3A_116 = arith.constant 0 : i32
        %dma_start3A_117 = tpu.memref_slice %arg3[%add3A, %dma_start3A_116] : memref<2x128xi32, #tpu.memory_space<hbm>> -> memref<1x128xi32, #tpu.memory_space<hbm>>
        %dma_start3A_118 = tpu.memref_squeeze %dma_start3A_117 : memref<1x128xi32, #tpu.memory_space<hbm>> -> memref<128xi32, #tpu.memory_space<hbm>>
        tpu.enqueue_dma source(%dma_start3A_118 : memref<128xi32, #tpu.memory_space<hbm>>) target(%arg10 : memref<128xi32, #tpu.memory_space<vmem>>) target_semaphore(%run_scoped3A_112 : memref<!tpu.dma_semaphore, #tpu.memory_space<semaphore_mem>>)
        %dma_wait3A_119 = arith.constant 0 : i32
        %dma_wait3A_120 = tpu.memref_slice %arg3[%add3A, %dma_wait3A_119] : memref<2x128xi32, #tpu.memory_space<hbm>> -> memref<1x128xi32, #tpu.memory_space<hbm>>
        %dma_wait3A_121 = tpu.memref_squeeze %dma_wait3A_120 : memref<1x128xi32, #tpu.memory_space<hbm>> -> memref<128xi32, #tpu.memory_space<hbm>>
        %dma_wait3A_122 = arith.constant 0 : i32
        %dma_wait3A_123 = tpu.memref_slice %arg3[%add3A, %dma_wait3A_122] : memref<2x128xi32, #tpu.memory_space<hbm>> -> memref<1x128xi32, #tpu.memory_space<hbm>>
        %dma_wait3A_124 = tpu.memref_squeeze %dma_wait3A_123 : memref<1x128xi32, #tpu.memory_space<hbm>> -> memref<128xi32, #tpu.memory_space<hbm>>
        tpu.wait_dma2 semaphore(%run_scoped3A_112 : memref<!tpu.dma_semaphore, #tpu.memory_space<semaphore_mem>>) src(%dma_wait3A_124 : memref<128xi32, #tpu.memory_space<hbm>>) dst(%arg10 : memref<128xi32, #tpu.memory_space<vmem>>)
        tpu.yield
      }) : () -> ()
      %dma_start3A_108 = arith.constant 0 : i32
      %dma_start3A_109 = tpu.memref_slice %arg5[%dma_start3A_108] : memref<100000xf32, #tpu.memory_space<hbm>> -> memref<100000xf32, #tpu.memory_space<hbm>>
      tpu.enqueue_indirect_dma source(%dma_start3A_109 : memref<100000xf32, #tpu.memory_space<hbm>>) target(%arg11 : memref<128xf32, #tpu.memory_space<vmem>>) offsets(%arg10 : memref<128xi32, #tpu.memory_space<vmem>>) semaphore(%arg13 : memref<!tpu.dma_semaphore, #tpu.memory_space<semaphore_mem>>)
      %dma_wait3A_110 = arith.constant 0 : i32
      %dma_wait3A_111 = tpu.memref_slice %arg5[%dma_wait3A_110] : memref<100000xf32, #tpu.memory_space<hbm>> -> memref<100000xf32, #tpu.memory_space<hbm>>
      tpu.wait_indirect_dma semaphore(%arg13 : memref<!tpu.dma_semaphore, #tpu.memory_space<semaphore_mem>>) src(%dma_wait3A_111 : memref<100000xf32, #tpu.memory_space<hbm>>) dst(%arg11 : memref<128xf32, #tpu.memory_space<vmem>>)
      "tpu.region"() ({
        %run_scoped3A_112 = tpu.sem_alloc : memref<!tpu.dma_semaphore, #tpu.memory_space<semaphore_mem>>
        %dma_start3A_113 = arith.constant 0 : i32
        %dma_start3A_114 = tpu.memref_slice %arg7[%add3A, %dma_start3A_113] : memref<2x128xf32, #tpu.memory_space<hbm>> -> memref<1x128xf32, #tpu.memory_space<hbm>>
        %dma_start3A_115 = tpu.memref_squeeze %dma_start3A_114 : memref<1x128xf32, #tpu.memory_space<hbm>> -> memref<128xf32, #tpu.memory_space<hbm>>
        %dma_start3A_116 = arith.constant 0 : i32
        %dma_start3A_117 = tpu.memref_slice %arg7[%add3A, %dma_start3A_116] : memref<2x128xf32, #tpu.memory_space<hbm>> -> memref<1x128xf32, #tpu.memory_space<hbm>>
        %dma_start3A_118 = tpu.memref_squeeze %dma_start3A_117 : memref<1x128xf32, #tpu.memory_space<hbm>> -> memref<128xf32, #tpu.memory_space<hbm>>
        tpu.enqueue_dma source(%arg11 : memref<128xf32, #tpu.memory_space<vmem>>) target(%dma_start3A_118 : memref<128xf32, #tpu.memory_space<hbm>>) target_semaphore(%run_scoped3A_112 : memref<!tpu.dma_semaphore, #tpu.memory_space<semaphore_mem>>)
        %dma_wait3A_119 = arith.constant 0 : i32
        %dma_wait3A_120 = tpu.memref_slice %arg7[%add3A, %dma_wait3A_119] : memref<2x128xf32, #tpu.memory_space<hbm>> -> memref<1x128xf32, #tpu.memory_space<hbm>>
        %dma_wait3A_121 = tpu.memref_squeeze %dma_wait3A_120 : memref<1x128xf32, #tpu.memory_space<hbm>> -> memref<128xf32, #tpu.memory_space<hbm>>
        %dma_wait3A_122 = arith.constant 0 : i32
        %dma_wait3A_123 = tpu.memref_slice %arg7[%add3A, %dma_wait3A_122] : memref<2x128xf32, #tpu.memory_space<hbm>> -> memref<1x128xf32, #tpu.memory_space<hbm>>
        %dma_wait3A_124 = tpu.memref_squeeze %dma_wait3A_123 : memref<1x128xf32, #tpu.memory_space<hbm>> -> memref<128xf32, #tpu.memory_space<hbm>>
        tpu.wait_dma2 semaphore(%run_scoped3A_112 : memref<!tpu.dma_semaphore, #tpu.memory_space<semaphore_mem>>) src(%arg11 : memref<128xf32, #tpu.memory_space<vmem>>) dst(%dma_wait3A_124 : memref<128xf32, #tpu.memory_space<hbm>>)
        tpu.yield
      }) : () -> ()
    } else {
    }
    %dma_wait3A = arith.constant 0 : i32
    %dma_wait3A_42 = arith.constant 0 : i32
    %dma_wait3A_43 = arith.constant 0 : i32
    %dma_wait3A_44 = tpu.memref_slice %arg9[%dma_wait3A_42, %dma_wait3A_43] : memref<4x128xf32, #tpu.memory_space<vmem>> -> memref<1x128xf32, #tpu.memory_space<vmem>>
    %dma_wait3A_45 = tpu.memref_squeeze %dma_wait3A_44 : memref<1x128xf32, #tpu.memory_space<vmem>> -> memref<128xf32, #tpu.memory_space<vmem>>
    %dma_wait3A_46 = arith.constant 0 : i32
    %dma_wait3A_47 = tpu.memref_slice %arg8[%dma_wait3A, %dma_wait3A_46] : memref<4x128xi32, #tpu.memory_space<vmem>> -> memref<1x128xi32, #tpu.memory_space<vmem>>
    %dma_wait3A_48 = tpu.memref_squeeze %dma_wait3A_47 : memref<1x128xi32, #tpu.memory_space<vmem>> -> memref<128xi32, #tpu.memory_space<vmem>>
    %dma_wait3A_49 = arith.constant 0 : i32
    %dma_wait3A_50 = tpu.memref_slice %arg4[%dma_wait3A_49] : memref<1000000xf32, #tpu.memory_space<hbm>> -> memref<1000000xf32, #tpu.memory_space<hbm>>
    tpu.wait_indirect_dma semaphore(%arg12 : memref<!tpu.dma_semaphore, #tpu.memory_space<semaphore_mem>>) src(%dma_wait3A_50 : memref<1000000xf32, #tpu.memory_space<hbm>>) dst(%dma_wait3A_45 : memref<128xf32, #tpu.memory_space<vmem>>)
    %dma_wait3A_51 = arith.constant 1 : i32
    %dma_wait3A_52 = arith.constant 1 : i32
    %dma_wait3A_53 = arith.constant 0 : i32
    %dma_wait3A_54 = tpu.memref_slice %arg9[%dma_wait3A_52, %dma_wait3A_53] : memref<4x128xf32, #tpu.memory_space<vmem>> -> memref<1x128xf32, #tpu.memory_space<vmem>>
    %dma_wait3A_55 = tpu.memref_squeeze %dma_wait3A_54 : memref<1x128xf32, #tpu.memory_space<vmem>> -> memref<128xf32, #tpu.memory_space<vmem>>
    %dma_wait3A_56 = arith.constant 0 : i32
    %dma_wait3A_57 = tpu.memref_slice %arg8[%dma_wait3A_51, %dma_wait3A_56] : memref<4x128xi32, #tpu.memory_space<vmem>> -> memref<1x128xi32, #tpu.memory_space<vmem>>
    %dma_wait3A_58 = tpu.memref_squeeze %dma_wait3A_57 : memref<1x128xi32, #tpu.memory_space<vmem>> -> memref<128xi32, #tpu.memory_space<vmem>>
    %dma_wait3A_59 = arith.constant 0 : i32
    %dma_wait3A_60 = tpu.memref_slice %arg4[%dma_wait3A_59] : memref<1000000xf32, #tpu.memory_space<hbm>> -> memref<1000000xf32, #tpu.memory_space<hbm>>
    tpu.wait_indirect_dma semaphore(%arg12 : memref<!tpu.dma_semaphore, #tpu.memory_space<semaphore_mem>>) src(%dma_wait3A_60 : memref<1000000xf32, #tpu.memory_space<hbm>>) dst(%dma_wait3A_55 : memref<128xf32, #tpu.memory_space<vmem>>)
    %dma_wait3A_61 = arith.constant 2 : i32
    %dma_wait3A_62 = arith.constant 2 : i32
    %dma_wait3A_63 = arith.constant 0 : i32
    %dma_wait3A_64 = tpu.memref_slice %arg9[%dma_wait3A_62, %dma_wait3A_63] : memref<4x128xf32, #tpu.memory_space<vmem>> -> memref<1x128xf32, #tpu.memory_space<vmem>>
    %dma_wait3A_65 = tpu.memref_squeeze %dma_wait3A_64 : memref<1x128xf32, #tpu.memory_space<vmem>> -> memref<128xf32, #tpu.memory_space<vmem>>
    %dma_wait3A_66 = arith.constant 0 : i32
    %dma_wait3A_67 = tpu.memref_slice %arg8[%dma_wait3A_61, %dma_wait3A_66] : memref<4x128xi32, #tpu.memory_space<vmem>> -> memref<1x128xi32, #tpu.memory_space<vmem>>
    %dma_wait3A_68 = tpu.memref_squeeze %dma_wait3A_67 : memref<1x128xi32, #tpu.memory_space<vmem>> -> memref<128xi32, #tpu.memory_space<vmem>>
    %dma_wait3A_69 = arith.constant 0 : i32
    %dma_wait3A_70 = tpu.memref_slice %arg4[%dma_wait3A_69] : memref<1000000xf32, #tpu.memory_space<hbm>> -> memref<1000000xf32, #tpu.memory_space<hbm>>
    tpu.wait_indirect_dma semaphore(%arg12 : memref<!tpu.dma_semaphore, #tpu.memory_space<semaphore_mem>>) src(%dma_wait3A_70 : memref<1000000xf32, #tpu.memory_space<hbm>>) dst(%dma_wait3A_65 : memref<128xf32, #tpu.memory_space<vmem>>)
    %dma_wait3A_71 = arith.constant 3 : i32
    %dma_wait3A_72 = arith.constant 3 : i32
    %dma_wait3A_73 = arith.constant 0 : i32
    %dma_wait3A_74 = tpu.memref_slice %arg9[%dma_wait3A_72, %dma_wait3A_73] : memref<4x128xf32, #tpu.memory_space<vmem>> -> memref<1x128xf32, #tpu.memory_space<vmem>>
    %dma_wait3A_75 = tpu.memref_squeeze %dma_wait3A_74 : memref<1x128xf32, #tpu.memory_space<vmem>> -> memref<128xf32, #tpu.memory_space<vmem>>
    %dma_wait3A_76 = arith.constant 0 : i32
    %dma_wait3A_77 = tpu.memref_slice %arg8[%dma_wait3A_71, %dma_wait3A_76] : memref<4x128xi32, #tpu.memory_space<vmem>> -> memref<1x128xi32, #tpu.memory_space<vmem>>
    %dma_wait3A_78 = tpu.memref_squeeze %dma_wait3A_77 : memref<1x128xi32, #tpu.memory_space<vmem>> -> memref<128xi32, #tpu.memory_space<vmem>>
    %dma_wait3A_79 = arith.constant 0 : i32
    %dma_wait3A_80 = tpu.memref_slice %arg4[%dma_wait3A_79] : memref<1000000xf32, #tpu.memory_space<hbm>> -> memref<1000000xf32, #tpu.memory_space<hbm>>
    tpu.wait_indirect_dma semaphore(%arg12 : memref<!tpu.dma_semaphore, #tpu.memory_space<semaphore_mem>>) src(%dma_wait3A_80 : memref<1000000xf32, #tpu.memory_space<hbm>>) dst(%dma_wait3A_75 : memref<128xf32, #tpu.memory_space<vmem>>)
    %mul3A_81 = arith.constant 4 : i32
    %mul3A_82 = arith.muli %add3A, %mul3A_81 : i32
    %mul3A_83 = arith.constant 128 : i32
    %mul3A_84 = arith.muli %mul3A_82, %mul3A_83 : i32
    %add3A_85 = arith.constant 0 : i32
    %add3A_86 = arith.addi %mul3A_84, %add3A_85 : i32
    %run_scoped3A = arith.constant 0 : i32
    "tpu.region"() ({
      %run_scoped3A_108 = tpu.sem_alloc : memref<!tpu.dma_semaphore, #tpu.memory_space<semaphore_mem>>
      %dma_start3A_109 = arith.constant 0 : i32
      %dma_start3A_110 = tpu.memref_slice %arg9[%run_scoped3A, %dma_start3A_109] : memref<4x128xf32, #tpu.memory_space<vmem>> -> memref<1x128xf32, #tpu.memory_space<vmem>>
      %dma_start3A_111 = tpu.memref_squeeze %dma_start3A_110 : memref<1x128xf32, #tpu.memory_space<vmem>> -> memref<128xf32, #tpu.memory_space<vmem>>
      %dma_start3A_112 = tpu.memref_slice %arg6[%add3A_86] : memref<16384xf32, #tpu.memory_space<hbm>> -> memref<128xf32, #tpu.memory_space<hbm>>
      %dma_start3A_113 = tpu.memref_slice %arg6[%add3A_86] : memref<16384xf32, #tpu.memory_space<hbm>> -> memref<128xf32, #tpu.memory_space<hbm>>
      %dma_start3A_114 = arith.constant 0 : i32
      %dma_start3A_115 = tpu.memref_slice %arg9[%run_scoped3A, %dma_start3A_114] : memref<4x128xf32, #tpu.memory_space<vmem>> -> memref<1x128xf32, #tpu.memory_space<vmem>>
      %dma_start3A_116 = tpu.memref_squeeze %dma_start3A_115 : memref<1x128xf32, #tpu.memory_space<vmem>> -> memref<128xf32, #tpu.memory_space<vmem>>
      tpu.enqueue_dma source(%dma_start3A_116 : memref<128xf32, #tpu.memory_space<vmem>>) target(%dma_start3A_113 : memref<128xf32, #tpu.memory_space<hbm>>) target_semaphore(%run_scoped3A_108 : memref<!tpu.dma_semaphore, #tpu.memory_space<semaphore_mem>>)
      %dma_wait3A_117 = arith.constant 0 : i32
      %dma_wait3A_118 = tpu.memref_slice %arg9[%run_scoped3A, %dma_wait3A_117] : memref<4x128xf32, #tpu.memory_space<vmem>> -> memref<1x128xf32, #tpu.memory_space<vmem>>
      %dma_wait3A_119 = tpu.memref_squeeze %dma_wait3A_118 : memref<1x128xf32, #tpu.memory_space<vmem>> -> memref<128xf32, #tpu.memory_space<vmem>>
      %dma_wait3A_120 = tpu.memref_slice %arg6[%add3A_86] : memref<16384xf32, #tpu.memory_space<hbm>> -> memref<128xf32, #tpu.memory_space<hbm>>
      %dma_wait3A_121 = tpu.memref_slice %arg6[%add3A_86] : memref<16384xf32, #tpu.memory_space<hbm>> -> memref<128xf32, #tpu.memory_space<hbm>>
      %dma_wait3A_122 = arith.constant 0 : i32
      %dma_wait3A_123 = tpu.memref_slice %arg9[%run_scoped3A, %dma_wait3A_122] : memref<4x128xf32, #tpu.memory_space<vmem>> -> memref<1x128xf32, #tpu.memory_space<vmem>>
      %dma_wait3A_124 = tpu.memref_squeeze %dma_wait3A_123 : memref<1x128xf32, #tpu.memory_space<vmem>> -> memref<128xf32, #tpu.memory_space<vmem>>
      tpu.wait_dma2 semaphore(%run_scoped3A_108 : memref<!tpu.dma_semaphore, #tpu.memory_space<semaphore_mem>>) src(%dma_wait3A_124 : memref<128xf32, #tpu.memory_space<vmem>>) dst(%dma_wait3A_121 : memref<128xf32, #tpu.memory_space<hbm>>)
      tpu.yield
    }) : () -> ()
    %mul3A_87 = arith.constant 4 : i32
    %mul3A_88 = arith.muli %add3A, %mul3A_87 : i32
    %mul3A_89 = arith.constant 128 : i32
    %mul3A_90 = arith.muli %mul3A_88, %mul3A_89 : i32
    %add3A_91 = arith.constant 128 : i32
    %add3A_92 = arith.addi %mul3A_90, %add3A_91 : i32
    %run_scoped3A_93 = arith.constant 1 : i32
    "tpu.region"() ({
      %run_scoped3A_108 = tpu.sem_alloc : memref<!tpu.dma_semaphore, #tpu.memory_space<semaphore_mem>>
      %dma_start3A_109 = arith.constant 0 : i32
      %dma_start3A_110 = tpu.memref_slice %arg9[%run_scoped3A_93, %dma_start3A_109] : memref<4x128xf32, #tpu.memory_space<vmem>> -> memref<1x128xf32, #tpu.memory_space<vmem>>
      %dma_start3A_111 = tpu.memref_squeeze %dma_start3A_110 : memref<1x128xf32, #tpu.memory_space<vmem>> -> memref<128xf32, #tpu.memory_space<vmem>>
      %dma_start3A_112 = tpu.memref_slice %arg6[%add3A_92] : memref<16384xf32, #tpu.memory_space<hbm>> -> memref<128xf32, #tpu.memory_space<hbm>>
      %dma_start3A_113 = tpu.memref_slice %arg6[%add3A_92] : memref<16384xf32, #tpu.memory_space<hbm>> -> memref<128xf32, #tpu.memory_space<hbm>>
      %dma_start3A_114 = arith.constant 0 : i32
      %dma_start3A_115 = tpu.memref_slice %arg9[%run_scoped3A_93, %dma_start3A_114] : memref<4x128xf32, #tpu.memory_space<vmem>> -> memref<1x128xf32, #tpu.memory_space<vmem>>
      %dma_start3A_116 = tpu.memref_squeeze %dma_start3A_115 : memref<1x128xf32, #tpu.memory_space<vmem>> -> memref<128xf32, #tpu.memory_space<vmem>>
      tpu.enqueue_dma source(%dma_start3A_116 : memref<128xf32, #tpu.memory_space<vmem>>) target(%dma_start3A_113 : memref<128xf32, #tpu.memory_space<hbm>>) target_semaphore(%run_scoped3A_108 : memref<!tpu.dma_semaphore, #tpu.memory_space<semaphore_mem>>)
      %dma_wait3A_117 = arith.constant 0 : i32
      %dma_wait3A_118 = tpu.memref_slice %arg9[%run_scoped3A_93, %dma_wait3A_117] : memref<4x128xf32, #tpu.memory_space<vmem>> -> memref<1x128xf32, #tpu.memory_space<vmem>>
      %dma_wait3A_119 = tpu.memref_squeeze %dma_wait3A_118 : memref<1x128xf32, #tpu.memory_space<vmem>> -> memref<128xf32, #tpu.memory_space<vmem>>
      %dma_wait3A_120 = tpu.memref_slice %arg6[%add3A_92] : memref<16384xf32, #tpu.memory_space<hbm>> -> memref<128xf32, #tpu.memory_space<hbm>>
      %dma_wait3A_121 = tpu.memref_slice %arg6[%add3A_92] : memref<16384xf32, #tpu.memory_space<hbm>> -> memref<128xf32, #tpu.memory_space<hbm>>
      %dma_wait3A_122 = arith.constant 0 : i32
      %dma_wait3A_123 = tpu.memref_slice %arg9[%run_scoped3A_93, %dma_wait3A_122] : memref<4x128xf32, #tpu.memory_space<vmem>> -> memref<1x128xf32, #tpu.memory_space<vmem>>
      %dma_wait3A_124 = tpu.memref_squeeze %dma_wait3A_123 : memref<1x128xf32, #tpu.memory_space<vmem>> -> memref<128xf32, #tpu.memory_space<vmem>>
      tpu.wait_dma2 semaphore(%run_scoped3A_108 : memref<!tpu.dma_semaphore, #tpu.memory_space<semaphore_mem>>) src(%dma_wait3A_124 : memref<128xf32, #tpu.memory_space<vmem>>) dst(%dma_wait3A_121 : memref<128xf32, #tpu.memory_space<hbm>>)
      tpu.yield
    }) : () -> ()
    %mul3A_94 = arith.constant 4 : i32
    %mul3A_95 = arith.muli %add3A, %mul3A_94 : i32
    %mul3A_96 = arith.constant 128 : i32
    %mul3A_97 = arith.muli %mul3A_95, %mul3A_96 : i32
    %add3A_98 = arith.constant 256 : i32
    %add3A_99 = arith.addi %mul3A_97, %add3A_98 : i32
    %run_scoped3A_100 = arith.constant 2 : i32
    "tpu.region"() ({
      %run_scoped3A_108 = tpu.sem_alloc : memref<!tpu.dma_semaphore, #tpu.memory_space<semaphore_mem>>
      %dma_start3A_109 = arith.constant 0 : i32
      %dma_start3A_110 = tpu.memref_slice %arg9[%run_scoped3A_100, %dma_start3A_109] : memref<4x128xf32, #tpu.memory_space<vmem>> -> memref<1x128xf32, #tpu.memory_space<vmem>>
      %dma_start3A_111 = tpu.memref_squeeze %dma_start3A_110 : memref<1x128xf32, #tpu.memory_space<vmem>> -> memref<128xf32, #tpu.memory_space<vmem>>
      %dma_start3A_112 = tpu.memref_slice %arg6[%add3A_99] : memref<16384xf32, #tpu.memory_space<hbm>> -> memref<128xf32, #tpu.memory_space<hbm>>
      %dma_start3A_113 = tpu.memref_slice %arg6[%add3A_99] : memref<16384xf32, #tpu.memory_space<hbm>> -> memref<128xf32, #tpu.memory_space<hbm>>
      %dma_start3A_114 = arith.constant 0 : i32
      %dma_start3A_115 = tpu.memref_slice %arg9[%run_scoped3A_100, %dma_start3A_114] : memref<4x128xf32, #tpu.memory_space<vmem>> -> memref<1x128xf32, #tpu.memory_space<vmem>>
      %dma_start3A_116 = tpu.memref_squeeze %dma_start3A_115 : memref<1x128xf32, #tpu.memory_space<vmem>> -> memref<128xf32, #tpu.memory_space<vmem>>
      tpu.enqueue_dma source(%dma_start3A_116 : memref<128xf32, #tpu.memory_space<vmem>>) target(%dma_start3A_113 : memref<128xf32, #tpu.memory_space<hbm>>) target_semaphore(%run_scoped3A_108 : memref<!tpu.dma_semaphore, #tpu.memory_space<semaphore_mem>>)
      %dma_wait3A_117 = arith.constant 0 : i32
      %dma_wait3A_118 = tpu.memref_slice %arg9[%run_scoped3A_100, %dma_wait3A_117] : memref<4x128xf32, #tpu.memory_space<vmem>> -> memref<1x128xf32, #tpu.memory_space<vmem>>
      %dma_wait3A_119 = tpu.memref_squeeze %dma_wait3A_118 : memref<1x128xf32, #tpu.memory_space<vmem>> -> memref<128xf32, #tpu.memory_space<vmem>>
      %dma_wait3A_120 = tpu.memref_slice %arg6[%add3A_99] : memref<16384xf32, #tpu.memory_space<hbm>> -> memref<128xf32, #tpu.memory_space<hbm>>
      %dma_wait3A_121 = tpu.memref_slice %arg6[%add3A_99] : memref<16384xf32, #tpu.memory_space<hbm>> -> memref<128xf32, #tpu.memory_space<hbm>>
      %dma_wait3A_122 = arith.constant 0 : i32
      %dma_wait3A_123 = tpu.memref_slice %arg9[%run_scoped3A_100, %dma_wait3A_122] : memref<4x128xf32, #tpu.memory_space<vmem>> -> memref<1x128xf32, #tpu.memory_space<vmem>>
      %dma_wait3A_124 = tpu.memref_squeeze %dma_wait3A_123 : memref<1x128xf32, #tpu.memory_space<vmem>> -> memref<128xf32, #tpu.memory_space<vmem>>
      tpu.wait_dma2 semaphore(%run_scoped3A_108 : memref<!tpu.dma_semaphore, #tpu.memory_space<semaphore_mem>>) src(%dma_wait3A_124 : memref<128xf32, #tpu.memory_space<vmem>>) dst(%dma_wait3A_121 : memref<128xf32, #tpu.memory_space<hbm>>)
      tpu.yield
    }) : () -> ()
    %mul3A_101 = arith.constant 4 : i32
    %mul3A_102 = arith.muli %add3A, %mul3A_101 : i32
    %mul3A_103 = arith.constant 128 : i32
    %mul3A_104 = arith.muli %mul3A_102, %mul3A_103 : i32
    %add3A_105 = arith.constant 384 : i32
    %add3A_106 = arith.addi %mul3A_104, %add3A_105 : i32
    %run_scoped3A_107 = arith.constant 3 : i32
    "tpu.region"() ({
      %run_scoped3A_108 = tpu.sem_alloc : memref<!tpu.dma_semaphore, #tpu.memory_space<semaphore_mem>>
      %dma_start3A_109 = arith.constant 0 : i32
      %dma_start3A_110 = tpu.memref_slice %arg9[%run_scoped3A_107, %dma_start3A_109] : memref<4x128xf32, #tpu.memory_space<vmem>> -> memref<1x128xf32, #tpu.memory_space<vmem>>
      %dma_start3A_111 = tpu.memref_squeeze %dma_start3A_110 : memref<1x128xf32, #tpu.memory_space<vmem>> -> memref<128xf32, #tpu.memory_space<vmem>>
      %dma_start3A_112 = tpu.memref_slice %arg6[%add3A_106] : memref<16384xf32, #tpu.memory_space<hbm>> -> memref<128xf32, #tpu.memory_space<hbm>>
      %dma_start3A_113 = tpu.memref_slice %arg6[%add3A_106] : memref<16384xf32, #tpu.memory_space<hbm>> -> memref<128xf32, #tpu.memory_space<hbm>>
      %dma_start3A_114 = arith.constant 0 : i32
      %dma_start3A_115 = tpu.memref_slice %arg9[%run_scoped3A_107, %dma_start3A_114] : memref<4x128xf32, #tpu.memory_space<vmem>> -> memref<1x128xf32, #tpu.memory_space<vmem>>
      %dma_start3A_116 = tpu.memref_squeeze %dma_start3A_115 : memref<1x128xf32, #tpu.memory_space<vmem>> -> memref<128xf32, #tpu.memory_space<vmem>>
      tpu.enqueue_dma source(%dma_start3A_116 : memref<128xf32, #tpu.memory_space<vmem>>) target(%dma_start3A_113 : memref<128xf32, #tpu.memory_space<hbm>>) target_semaphore(%run_scoped3A_108 : memref<!tpu.dma_semaphore, #tpu.memory_space<semaphore_mem>>)
      %dma_wait3A_117 = arith.constant 0 : i32
      %dma_wait3A_118 = tpu.memref_slice %arg9[%run_scoped3A_107, %dma_wait3A_117] : memref<4x128xf32, #tpu.memory_space<vmem>> -> memref<1x128xf32, #tpu.memory_space<vmem>>
      %dma_wait3A_119 = tpu.memref_squeeze %dma_wait3A_118 : memref<1x128xf32, #tpu.memory_space<vmem>> -> memref<128xf32, #tpu.memory_space<vmem>>
      %dma_wait3A_120 = tpu.memref_slice %arg6[%add3A_106] : memref<16384xf32, #tpu.memory_space<hbm>> -> memref<128xf32, #tpu.memory_space<hbm>>
      %dma_wait3A_121 = tpu.memref_slice %arg6[%add3A_106] : memref<16384xf32, #tpu.memory_space<hbm>> -> memref<128xf32, #tpu.memory_space<hbm>>
      %dma_wait3A_122 = arith.constant 0 : i32
      %dma_wait3A_123 = tpu.memref_slice %arg9[%run_scoped3A_107, %dma_wait3A_122] : memref<4x128xf32, #tpu.memory_space<vmem>> -> memref<1x128xf32, #tpu.memory_space<vmem>>
      %dma_wait3A_124 = tpu.memref_squeeze %dma_wait3A_123 : memref<1x128xf32, #tpu.memory_space<vmem>> -> memref<128xf32, #tpu.memory_space<vmem>>
      tpu.wait_dma2 semaphore(%run_scoped3A_108 : memref<!tpu.dma_semaphore, #tpu.memory_space<semaphore_mem>>) src(%dma_wait3A_124 : memref<128xf32, #tpu.memory_space<vmem>>) dst(%dma_wait3A_121 : memref<128xf32, #tpu.memory_space<hbm>>)
      tpu.yield
    }) : () -> ()
    return
  }
}

module attributes {stable_mosaic.version = 14 : i64} {
  func.func @body(%arg0: i32, %arg1: memref<4096xf32, #tpu.memory_space<vmem>>, %arg2: memref<2x128xf32, #tpu.memory_space<vmem>>, %arg3: memref<200x4096xf32, #tpu.memory_space<vmem>>) attributes {dimension_semantics = [#tpu.dimension_semantics<arbitrary>], iteration_bounds = array<i64: 4>, scalar_prefetch = 0 : i64, scratch_operands = 0 : i64, tpu.core_type = #tpu.core_type<tc>, window_params = [{transform_indices = @transform_0, window_bounds = array<i64: 4096>}, {pipeline_mode = #tpu.pipeline_mode<synchronous>, transform_indices = @transform_1, window_bounds = array<i64: 2, 128>}, {transform_indices = @transform_2, window_bounds = array<i64: 200, 4096>}]} {
    %get3A = arith.constant 0 : index
    %get3A_0 = vector.load %arg1[%get3A] : memref<4096xf32, #tpu.memory_space<vmem>>, vector<4096xf32>
    %get3A_1 = arith.constant 0 : index
    %get3A_2 = arith.constant 0 : index
    %get3A_3 = vector.load %arg2[%get3A_1, %get3A_2] : memref<2x128xf32, #tpu.memory_space<vmem>>, vector<2x128xf32>
    %iota3A = tpu.iota {dimensions = array<i32: 0>} : vector<200x2xi32>
    %jit3A = arith.constant 128 : i32
    %div3A = vector.broadcast %jit3A : i32 to vector<200x2xi32>
    %div3A_4 = arith.divsi %iota3A, %div3A : vector<200x2xi32>
    %sign3A = arith.constant 0 : i32
    %sign3A_5 = vector.broadcast %sign3A : i32 to vector<200x2xi32>
    %sign3A_6 = arith.cmpi sgt, %iota3A, %sign3A_5 : vector<200x2xi32>
    %sign3A_7 = arith.extui %sign3A_6 : vector<200x2xi1> to vector<200x2xi32>
    %sign3A_8 = arith.constant 0 : i32
    %sign3A_9 = vector.broadcast %sign3A_8 : i32 to vector<200x2xi32>
    %sign3A_10 = arith.cmpi slt, %iota3A, %sign3A_9 : vector<200x2xi32>
    %sign3A_11 = arith.extui %sign3A_10 : vector<200x2xi1> to vector<200x2xi32>
    %sign3A_12 = arith.subi %sign3A_7, %sign3A_11 : vector<200x2xi32>
    %sign3A_13 = arith.constant 0 : i32
    %sign3A_14 = arith.cmpi sgt, %jit3A, %sign3A_13 : i32
    %sign3A_15 = arith.extui %sign3A_14 : i1 to i32
    %sign3A_16 = arith.constant 0 : i32
    %sign3A_17 = arith.cmpi slt, %jit3A, %sign3A_16 : i32
    %sign3A_18 = arith.extui %sign3A_17 : i1 to i32
    %sign3A_19 = arith.subi %sign3A_15, %sign3A_18 : i32
    %ne3A = vector.broadcast %sign3A_19 : i32 to vector<200x2xi32>
    %ne3A_20 = arith.cmpi ne, %sign3A_12, %ne3A : vector<200x2xi32>
    %rem3A = vector.broadcast %jit3A : i32 to vector<200x2xi32>
    %rem3A_21 = arith.remsi %iota3A, %rem3A : vector<200x2xi32>
    %ne3A_22 = arith.constant 0 : i32
    %ne3A_23 = vector.broadcast %ne3A_22 : i32 to vector<200x2xi32>
    %ne3A_24 = arith.cmpi ne, %rem3A_21, %ne3A_23 : vector<200x2xi32>
    %and3A = arith.andi %ne3A_20, %ne3A_24 : vector<200x2xi1>
    %sub3A = arith.constant 1 : i32
    %sub3A_25 = vector.broadcast %sub3A : i32 to vector<200x2xi32>
    %sub3A_26 = arith.subi %div3A_4, %sub3A_25 : vector<200x2xi32>
    %select_n3A = arith.select %and3A, %sub3A_26, %div3A_4 : vector<200x2xi1>, vector<200x2xi32>
    %iota3A_27 = tpu.iota {dimensions = array<i32: 1>} : vector<200x2xi32>
    %eq3A = arith.cmpi eq, %select_n3A, %iota3A_27 : vector<200x2xi32>
    %convert_element_type3A = arith.extui %eq3A : vector<200x2xi1> to vector<200x2xi32>
    %convert_element_type3A_28 = arith.sitofp %convert_element_type3A : vector<200x2xi32> to vector<200x2xf32>
    %dot_general3A = arith.constant dense<0.000000e+00> : vector<200x128xf32>
    %dot_general3A_29 = tpu.matmul %convert_element_type3A_28, %get3A_3, %dot_general3A {dimension_numbers = #tpu.dot_dimension_numbers<[1], [0], [0], [1], [0, 0, 1, 1], [], []>, transpose_lhs_hint = false} : vector<200x2xf32>, vector<2x128xf32>, vector<200x128xf32> -> vector<200x128xf32>
    %iota3A_30 = tpu.iota {dimensions = array<i32: 0>} : vector<200x128xi32>
    %jit3A_31 = arith.constant 128 : i32
    %eq3A_32 = arith.constant 0 : i32
    %eq3A_33 = arith.cmpi eq, %jit3A_31, %eq3A_32 : i32
    %jit3A_34 = arith.constant 1 : i32
    %select_n3A_35 = arith.select %eq3A_33, %jit3A_34, %jit3A_31 : i32
    %rem3A_36 = vector.broadcast %select_n3A_35 : i32 to vector<200x128xi32>
    %rem3A_37 = arith.remsi %iota3A_30, %rem3A_36 : vector<200x128xi32>
    %ne3A_38 = arith.constant 0 : i32
    %ne3A_39 = vector.broadcast %ne3A_38 : i32 to vector<200x128xi32>
    %ne3A_40 = arith.cmpi ne, %rem3A_37, %ne3A_39 : vector<200x128xi32>
    %lt3A = arith.constant 0 : i32
    %lt3A_41 = vector.broadcast %lt3A : i32 to vector<200x128xi32>
    %lt3A_42 = arith.cmpi slt, %rem3A_37, %lt3A_41 : vector<200x128xi32>
    %lt3A_43 = arith.constant 0 : i32
    %lt3A_44 = arith.cmpi slt, %select_n3A_35, %lt3A_43 : i32
    %ne3A_45 = vector.broadcast %lt3A_44 : i1 to vector<200x128xi1>
    %ne3A_46 = vector.broadcast %ne3A_45 : vector<200x128xi1> to vector<200x128xi1>
    %ne3A_47 = arith.xori %lt3A_42, %ne3A_46 : vector<200x128xi1>
    %and3A_48 = arith.andi %ne3A_47, %ne3A_40 : vector<200x128xi1>
    %add3A = vector.broadcast %select_n3A_35 : i32 to vector<200x128xi32>
    %add3A_49 = arith.addi %rem3A_37, %add3A : vector<200x128xi32>
    %select_n3A_50 = arith.select %and3A_48, %add3A_49, %rem3A_37 : vector<200x128xi1>, vector<200x128xi32>
    %iota3A_51 = tpu.iota {dimensions = array<i32: 1>} : vector<200x128xi32>
    %eq3A_52 = arith.cmpi eq, %select_n3A_50, %iota3A_51 : vector<200x128xi32>
    %jit3A_53 = arith.constant 0.000000e+00 : f32
    %broadcast_in_dim3A = vector.broadcast %jit3A_53 : f32 to vector<200x128xf32>
    %select_n3A_54 = arith.select %eq3A_52, %dot_general3A_29, %broadcast_in_dim3A : vector<200x128xi1>, vector<200x128xf32>
    %reduce_sum3A = arith.constant dense<0.000000e+00> : vector<200xf32>
    %reduce_sum3A_55 = vector.multi_reduction <add>, %select_n3A_54, %reduce_sum3A [1] : vector<200x128xf32> to vector<200xf32>
    %broadcast_in_dim3A_56 = vector.shape_cast %reduce_sum3A_55 : vector<200xf32> to vector<200x1xf32>
    %broadcast_in_dim3A_57 = vector.shape_cast %get3A_0 : vector<4096xf32> to vector<1x4096xf32>
    %sub3A_58 = vector.broadcast %broadcast_in_dim3A_57 : vector<1x4096xf32> to vector<200x4096xf32>
    %sub3A_59 = vector.broadcast %broadcast_in_dim3A_56 : vector<200x1xf32> to vector<200x4096xf32>
    %sub3A_60 = arith.subf %sub3A_58, %sub3A_59 : vector<200x4096xf32>
    %logistic3A = arith.negf %sub3A_60 : vector<200x4096xf32>
    %logistic3A_61 = math.exp %logistic3A : vector<200x4096xf32>
    %logistic3A_62 = arith.constant 1.000000e+00 : f32
    %logistic3A_63 = vector.broadcast %logistic3A_62 : f32 to vector<200x4096xf32>
    %logistic3A_64 = arith.addf %logistic3A_63, %logistic3A_61 : vector<200x4096xf32>
    %logistic3A_65 = arith.divf %logistic3A_63, %logistic3A_64 : vector<200x4096xf32>
    %swap3A = arith.constant 0 : index
    %swap3A_66 = arith.constant 0 : index
    %swap3A_67 = vector.load %arg3[%swap3A, %swap3A_66] : memref<200x4096xf32, #tpu.memory_space<vmem>>, vector<200x4096xf32>
    tpu.vector_store %arg3[%swap3A, %swap3A_66], %logistic3A_65 {strides = array<i32>} : memref<200x4096xf32, #tpu.memory_space<vmem>>, vector<200x4096xf32>,
    return
  }
  func.func @transform_0(%arg0: i32) -> i32 {
    %c0_i32 = arith.constant 0 : i32
    return %arg0 : i32
  }
  func.func @transform_1(%arg0: i32) -> (i32, i32) {
    %c0_i32 = arith.constant 0 : i32
    %c0_i32_0 = arith.constant 0 : i32
    %c0_i32_1 = arith.constant 0 : i32
    return %c0_i32, %c0_i32_0 : i32, i32
  }
  func.func @transform_2(%arg0: i32) -> (i32, i32) {
    %c0_i32 = arith.constant 0 : i32
    %c0_i32_0 = arith.constant 0 : i32
    return %c0_i32, %arg0 : i32, i32
  }
}

</mosaic_0001>

<sc_bundles>
// kernel: kernel.4.cloned.1.call-start
scs
__scs_entry_jumppad:
0x0: {  	(pc) =	sbr.rel $0x88, $3  }
0x1: {  	(tag) =	ssettag $0x0;
	lr =	simm.s32 $0x1  }
0x2: {  	[smem:$0x3F9D] =	sst lr;
	_ =	strace $0xD0000000  }
0x3: {  	_ = 	snop  }
0x4: {  	_ = 	snop  }
0x5: {  	_ = 	snop  }
0x6: {  	_ = 	snop  }
0x7: {  	_ = 	snop  }
__scs_overlays_trampoline_lowered:
0x8: {  	[smem:$0x3FAC] =	sst s0  }
0x9: {  	[smem:$0x3FAD] =	sst s1  }
0xa: {  	[smem:$0x3FAE] =	sst s2  }
0xb: {  	[smem:$0x3FAF] =	sst s3  }
0xc: {  	[smem:$0x3FB0] =	sst s4  }
0xd: {  	[smem:$0x3FB1] =	sst s5  }
0xe: {  	[smem:$0x3FB2] =	sst s6  }
0xf: {  	[smem:$0x3FB3] =	sst s7  }
0x10: {  	[smem:$0x3FB4] =	sst s8  }
0x11: {  	[smem:$0x3FB5] =	sst s9;
	s0 =	simm.s32 @!p0 $0x0  }
0x12: {  	s1 =	sld [smem:$0x3F9B];
	s0 =	simm.s32 @p0 $0x1  }
0x13: {  	[smem:$0x3FB6] =	sst s0;
	s0 =	simm.s32 @!p1 $0x0  }
0x14: {  	s2 =	sld [smem:$0x3F9A];
	s0 =	simm.s32 @p1 $0x1  }
0x15: {  	[smem:$0x3FB7] =	sst s0;
	s0 =	simm.s32 @!p2 $0x0  }
0x16: {  	s3 =	sld [smem:$0x3FDB];
	s0 =	simm.s32 @p2 $0x1  }
0x17: {  	s4 =	simm.s32 $0x1BF5;
	[smem:$0x3FB9] =	sst s0  }
0x18: {  	s0 =	sld [smem:$0x3F9C];
	_ =	swait.ge [sflag:s4], $0x0  }
0x19: {  	s7 =	sld [smem:$0x3F9D]  }
0x1a: {  	s8 =	sadd.s32 $0xFFFFE003, lr  }
0x1b: {  	s9 =	sadd.s32 $0xFFFFFEF7, lr;
	s5 =	simm.s32 $0xFFFFFFFF;
	p2 =	slt.u32 s8, $0xFFFFF086  }
0x1c: {  	p1 =	slt.u32 s9, $0xF7A;
	s5 =	simm.s32 @!p2 $0x0  }
0x1d: {  	s5 =	simm.s32 @p1 $0x1;
	p0 =	seq.s32 s7, s2  }
0x1e: {  	s7 =	smul.u32 @!p0 $0xF7A, s2;
	p2 =	seq.s32 @!p0 s5, $0x0  }
0x1f: {  	s9 =	smul.u32 $0xF7A, s1;
	s8 =	simm.s32 @!p0 $0x1BF5;
	p2 =	por !p2, p0  }
0x20: {  	[sflag:s8] =	ssyncset.s32 @!p0 $0xFFFFF086;
	s6 =	sadd.s32 @!p0 s3, s7;
	s7 =	simm.s32 @!p0 $0x108  }
0x21: {  	s3 =	sadd.s32 s3, s9;
	s6 =	sadd.s32 @!p0 $0x88, s6;
	s7 =	simm.s32 @p2 $0x1082  }
0x22: {  	[simem:s7], [sflag:s8] =	dma.local @!p0 [hbm:s6], $0xF7A  }
0x23: {  	s9 =	sor.u32 $0xD0000000, s2;
	s6 =	simm.s32 $0x108;
	_ =	swait.ge @!p0 [sflag:s8], $0x0  }
0x24: {  	s3 =	sadd.s32 $0x88, s3;
	s6 =	simm.s32 @!p1 $0x1082;
	[sflag:s4] =	ssyncset.s32 $0xFFFFF086  }
0x25: {  	[simem:s6], [sflag:s4] =	dma.local [hbm:s3], $0xF7A  }
0x26: {  	[smem:$0x3F9D] =	sst s1;
	(tag) =	ssettag s2;
	_ =	strace s9  }
0x27: {  	s1 =	sld [smem:$0x3FAD]  }
0x28: {  	s2 =	sld [smem:$0x3FAE]  }
0x29: {  	s4 =	sld [smem:$0x3FB0]  }
0x2a: {  	p0 =	seq.s32 s5, $0x0;
	s5 =	sld [smem:$0x3FB1]  }
0x2b: {  	s6 =	sld [smem:$0x3FB2]  }
0x2c: {  	s7 =	sld [smem:$0x3FB3]  }
0x2d: {  	s3 =	simm.s32 $0x108;
	s8 =	sld [smem:$0x3FB4]  }
0x2e: {  	s3 =	simm.s32 @!p0 $0x1082;
	s9 =	sld [smem:$0x3FB5]  }
0x2f: {  	lr =	sadd.s32 s0, s3;
	s0 =	sld [smem:$0x3FAC]  }
0x30: {  	s3 =	sld [smem:$0x3FAF]  }
0x31: {  	[smem:$0x3FB8] =	sst s10  }
0x32: {  	s10 =	sld [smem:$0x3FB6];
	_ =	sdelay $0x3  }
0x33: {  	p0 =	seq.s32 s10, $0x1;
	s10 =	sld [smem:$0x3FB8];
	_ =	sdelay $0x3  }
0x34: {  	[smem:$0x3FB8] =	sst s10  }
0x35: {  	s10 =	sld [smem:$0x3FB7];
	_ =	sdelay $0x3  }
0x36: {  	p1 =	seq.s32 s10, $0x1;
	s10 =	sld [smem:$0x3FB8];
	_ =	sdelay $0x3  }
0x37: {  	[smem:$0x3FB8] =	sst s10  }
0x38: {  	s10 =	sld [smem:$0x3FB9]  }
0x39: {  	_ = 	snop;
	(pc) =	sbr.ind lr, $3  }
0x3a: {  	_ = 	snop  }
0x3b: {  	_ = 	snop  }
0x3c: {  	p2 =	seq.s32 s10, $0x1;
	s10 =	sld [smem:$0x3FB8]  }
0x3d: {  	_ =	shalt  }
0x3e: {  	_ =	shalt  }
0x3f: {  	_ =	shalt  }
0x40: {  	_ =	shalt  }
0x41: {  	_ =	shalt  }
0x42: {  	_ =	shalt  }
0x43: {  	_ =	shalt  }
0x44: {  	_ =	shalt  }
0x45: {  	_ =	shalt  }
0x46: {  	_ =	shalt  }
0x47: {  	_ =	shalt  }
0x48: {  	_ =	shalt  }
0x49: {  	_ =	shalt  }
0x4a: {  	_ =	shalt  }
0x4b: {  	_ =	shalt  }
0x4c: {  	_ =	shalt  }
0x4d: {  	_ =	shalt  }
0x4e: {  	_ =	shalt  }
0x4f: {  	_ =	shalt  }
0x50: {  	_ =	shalt  }
0x51: {  	_ =	shalt  }
0x52: {  	_ =	shalt  }
0x53: {  	_ =	shalt  }
0x54: {  	_ =	shalt  }
0x55: {  	_ =	shalt  }
0x56: {  	_ =	shalt  }
0x57: {  	_ =	shalt  }
0x58: {  	_ =	shalt  }
0x59: {  	_ =	shalt  }
0x5a: {  	_ =	shalt  }
0x5b: {  	_ =	shalt  }
0x5c: {  	_ =	shalt  }
0x5d: {  	_ =	shalt  }
0x5e: {  	_ =	shalt  }
0x5f: {  	_ =	shalt  }
0x60: {  	_ =	shalt  }
0x61: {  	_ =	shalt  }
0x62: {  	_ =	shalt  }
0x63: {  	_ =	shalt  }
0x64: {  	_ =	shalt  }
0x65: {  	_ =	shalt  }
0x66: {  	_ =	shalt  }
0x67: {  	_ =	shalt  }
0x68: {  	_ =	shalt  }
0x69: {  	_ =	shalt  }
0x6a: {  	_ =	shalt  }
0x6b: {  	_ =	shalt  }
0x6c: {  	_ =	shalt  }
0x6d: {  	_ =	shalt  }
0x6e: {  	_ =	shalt  }
0x6f: {  	_ =	shalt  }
0x70: {  	_ =	shalt  }
0x71: {  	_ =	shalt  }
0x72: {  	_ =	shalt  }
0x73: {  	_ =	shalt  }
0x74: {  	_ =	shalt  }
0x75: {  	_ =	shalt  }
0x76: {  	_ =	shalt  }
0x77: {  	_ =	shalt  }
0x78: {  	_ =	shalt  }
0x79: {  	_ =	shalt  }
0x7a: {  	_ =	shalt  }
0x7b: {  	_ =	shalt  }
0x7c: {  	_ =	shalt  }
0x7d: {  	_ =	shalt  }
0x7e: {  	_ =	shalt  }
0x7f: {  	_ =	shalt  }
0x80: {  	_ =	shalt  }
0x81: {  	_ =	shalt  }
0x82: {  	_ =	shalt  }
0x83: {  	_ =	shalt  }
0x84: {  	_ =	shalt  }
0x85: {  	_ =	shalt  }
0x86: {  	_ =	shalt  }
0x87: {  	_ =	shalt  }
.Lfunc_end0:
.L_simem_size_0:
called_computation_lowered:
.L_overlay_start_0:
0x88: {  	s2 =	sld [smem:$0x3FD9]  }
0x89: {  	s3 =	sld [smem:$0x3FFE];
	_ =	sdelay $0x1  }
0x8a: {  	s1 =	srdreg.scid  }
0x8b: {  	s0 =	sand.u32 $0x1, s1  }
0x8c: {  	s17 =	sshll.u32 s0, $0xA;
	s2 =	sadd.s32 s3, s2  }
0x8d: {  	s2 =	sadd.s32 s2, s17  }
0x8e: {  	[smem:$0x3FC4] =	sst s2  }
0x8f: {  	_ = 	snop  }
0x90: {  	s2 =	sld [smem:$0x3FC9]  }
0x91: {  	s18 =	sld [smem:$0x3FD0];
	(tm) =	ssettm $0x1  }
0x92: {  	s4 =	sld [smem:$0x3FFB];
	_ =	sdelay $0x3  }
0x93: {  	_ =	strace s4  }
0x94: {  	s4 =	sld [smem:$0x3FFC];
	_ =	sdelay $0x3  }
0x95: {  	_ =	strace s4  }
0x96: {  	s4 =	sld [smem:$0x3FFD];
	_ =	sdelay $0x3  }
0x97: {  	_ =	strace s4  }
0x98: {  	_ =	strace $0x8FFFFFFF  }
0x99: {  	s19 =	sld [smem:$0x3FDB];
	_ =	sdelay $0x1  }
0x9a: {  	s5 =	simm.s32 $_scs_section_size  }
0x9b: {  	s6 =	simm.s32 $_size__tile_overlayer_lowered;
	s7 =	simm.s32 $_tile_overlayer_lowered  }
0x9c: {  	s22 =	simm.s32 $0x1BFF;
	s21 =	sshll.u32 s7, $0x1;
	s4 =	sadd.s32 s5, s19  }
0x9d: {  	s8 =	simm.s32 $0x0;
	s20 =	sshll.u32 s6, $0x1;
	s6 =	sadd.s32 s21, s4  }
0x9e: {  	[timem:s8], [sflag:s22] =	dma.local [hbm:s6], s20  }
0x9f: {  	_ =	swait.ge [sflag:s22], s20  }
0xa0: {  	s5 =	ssub.s32 $0x0, s20;
	[sflag:s22] =	ssyncset.done $0x0  }
0xa1: {  	[sflag:s22] =	ssyncadd.s32 s5;
	_ =	sdelay $0x1  }
0xa2: {  	s23 =	simm.s32 $0x1B8B  }
0xa3: {  	_ =	swait.ge [sflag:s23], $0x1  }
0xa4: {  	[sflag:s23] =	ssyncset.done $0x0  }
0xa5: {  	s25 =	simm.s32 $0x1B8E;
	s24 =	sld [smem:$0x3FFE];
	[sflag:s23] =	ssyncadd.s32 $0xFFFFFFFF  }
0xa6: {  	s26 =	simm.s32 $execute0_lowered;
	[smem:$0x3FD2] =	sst s25  }
0xa7: {  	s6 =	sshll.u32 s26, $0x1;
	_ =	strace $0x80000046;
	[dreg:$0x1] =	wrdreg $0xFFFFFFFF  }
0xa8: {  	s28 =	simm.s32 $_size_execute0_lowered;
	s4 =	sadd.s32 s4, s6;
	[dreg:$0x0] =	wrdreg $0x0  }
0xa9: {  	s6 =	sshll.u32 s28, $0x1;
	[dreg:$0x2] =	wrdreg s4  }
0xaa: {  	[dreg:$0x3] =	wrdreg s6  }
0xab: {  	[dreg:$0x4] =	wrdreg $0xC0  }
0xac: {  	_ =	task [dreg:s8], $0x5FFFF  }
0xad: {  	[dreg:$0x1] =	wrdreg $0xFFFFFFFF  }
0xae: {  	[dreg:$0x0] =	wrdreg $0x60  }
0xaf: {  	[dreg:$0x2] =	wrdreg s2  }
0xb0: {  	[dreg:$0x3] =	wrdreg s24  }
0xb1: {  	[dreg:$0x4] =	wrdreg s18  }
0xb2: {  	[dreg:$0x5] =	wrdreg $0x9  }
0xb3: {  	_ =	task.clear_ibuf [dreg:s8], $0x6FFFF;
	_ =	strace $0x90000046  }
0xb4: {  	s29 =	simm.s32 $0x9;
	_ =	strace $0x80000048  }
0xb5: {  	_ =	swait.ge [sflag:s29], $0x1  }
0xb6: {  	[sflag:s29] =	ssyncadd.s32 $0xFFFFFFFF  }
0xb7: {  	_ =	strace $0x90000048  }
0xb8: {  	_ =	sfence  }
0xb9: {  	s30 =	sld [smem:$0x0];
	_ =	sdelay $0x2  }
0xba: {  	s31 =	sshll.u32 s1, $0xD;
	s1 =	sshrl.u32 s1, $0x2  }
0xbb: {  	s3 =	sand.u32 $0x4000, s31;
	s1 =	sadd.s32 s1, s30  }
0xbc: {  	s0 =	sor.u32 s3, s0;
	s1 =	sshll.u32 s1, $0x11  }
0xbd: {  	s0 =	sor.u32 s1, s0  }
0xbe: {  	s0 =	sadd.s32 $0x8F2B, s0  }
0xbf: {  	[sflag:s0] =	ssyncadd.remote.s32 $0x1  }
0xc0: {  	_ =	sfence.sel $0xFFFF  }
0xc1: {  	[dreg:$0x0] =	wrdreg $0xFFFFFFFF;
	(pc) =	sbr.abs _section_cstart, $3  }
0xc2: {  	[dreg:$0x1] =	wrdreg $0xFFFFFFFF  }
0xc3: {  	_ =	task.clear_ibuf [dreg:s8], $0x2FFFF;
	_ =	strace $0x9FFFFFFF  }
0xc4: {  	(tm) =	ssettm $0x7FFFFFFF  }
0xc5: {  	_ =	shalt  }
tec
execute0_lowered:
.L_overlay_start_1:
0x0: {  	(tag) =	ssettag $0x1  }
0x1: {  	s3 =	rddreg [dreg:$0x0]  }
0x2: {  	s22 =	rddreg [dreg:$0x1]  }
0x3: {  	s1 =	rddreg [dreg:$0x2];
	s2 =	srdreg.scid  }
0x4: {  	s0 =	rddreg [dreg:$0x3];
	s11 =	stileid.u32;
	s24 =	sand.u32 $0x1, s2  }
0x5: {  	s2 =	simm.s32 $0x0;
	s4 =	sshll.u32 s11, $0x7;
	s5 =	sshll.u32 s24, $0x6  }
0x6: {  	[smem:$0x7FF] =	sst s2;
	s23 =	sor.u32 s5, s4  }
0x7: {  	_ =	strace $0x80000047;
	s4 =	sadd.s32 s3, s23;
	s3 =	simm.s32 $0x3  }
0x8: {  	[tilespmem:s2], [sflag:$0x3] =	stream.linear.gather [hbm4b:s4+s2], $0x200, $0x38;
	[tilespmem:$0x500] =	vst v63  }
0x9: {  	_ =	swait.ge [sflag:s3], $0x200  }
0xa: {  	s6 =	simm.s32 $0x200;
	[sflag:s3] =	ssyncset.done $0x0  }
0xb: {  	s7 =	sshll.u32 s24, $0x4;
	s5 =	simm.s32 $0x80;
	[sflag:s3] =	ssyncadd.s32 $0xFFFFFE00  }
0xc: {  	[tilespmem:s6], [sflag:$0x1] =	stream.indirect.gather [hbm4b:s1+s5], $0x1, s2, s5, $0xb8;
	[tilespmem:$0x500] =	vst v63  }
0xd: {  	s20 =	sadd.s32 s7, s22;
	s7 =	simm.s32 $0x280  }
0xe: {  	[tilespmem:s7], [sflag:$0x1] =	stream.indirect.gather [hbm4b:s1+s5], $0x1, s5, s5, $0xb8;
	[tilespmem:$0x500] =	vst v63  }
0xf: {  	s9 =	simm.s32 $0x100;
	s10 =	simm.s32 $0x300;
	p0 =	sne.s32 s11, $0x0  }
0x10: {  	[tilespmem:s10], [sflag:$0x1] =	stream.indirect.gather [hbm4b:s1+s5], $0x1, s9, s5, $0xb8;
	[tilespmem:$0x500] =	vst v63  }
0x11: {  	s12 =	simm.s32 $0x380;
	s11 =	simm.s32 $0x180;
	s13 =	simm.s32 @!p0 $0x0  }
0x12: {  	[tilespmem:s12], [sflag:$0x1] =	stream.indirect.gather [hbm4b:s1+s5], $0x1, s11, s5, $0xb8;
	[tilespmem:$0x500] =	vst v63  }
0x13: {  	s14 =	simm.s32 @!p0 $0x400;
	s15 =	simm.s32 @!p0 $0x3;
	s8 =	sadd.s32 $0x200, s20  }
0x14: {  	[tilespmem:s14], [sflag:$0x3] =	stream.linear.gather @!p0 [hbm4b:s8+s13], $0x80, $0x38;
	[tilespmem:$0x500] =	vst v63  }
0x15: {  	_ =	swait.ge @!p0 [sflag:s15], $0x80  }
0x16: {  	s16 =	sadd.s32 $0x400, s22;
	s17 =	simm.s32 @!p0 $0x2;
	[sflag:s15] =	ssyncset.done @!p0 $0x0  }
0x17: {  	s18 =	simm.s32 @!p0 $0x80;
	s19 =	simm.s32 @!p0 $0x480;
	[sflag:s15] =	ssyncadd.s32 @!p0 $0xFFFFFF80  }
0x18: {  	[tilespmem:s19], [sflag:$0x2] =	stream.indirect.gather @!p0 [hbm4b:s16+s18], $0x1, s14, s18, $0xb8;
	[tilespmem:$0x500] =	vst v63  }
0x19: {  	_ =	swait.ge @!p0 [sflag:s17], $0x80  }
0x1a: {  	[sflag:s17] =	ssyncset.done @!p0 $0x0  }
0x1b: {  	s20 =	sadd.s32 $0x3E00, s20;
	[sflag:s17] =	ssyncadd.s32 @!p0 $0xFFFFFF80  }
0x1c: {  	[hbm4b:s20+s13] =	stream.linear.scatter @!p0 [tilespmem:s19], [sflag:$0x3], $0x80, $0x38;
	[tilespmem:$0x500] =	vst v63  }
0x1d: {  	_ =	swait.ge @!p0 [sflag:s15], $0x80  }
0x1e: {  	[sflag:s15] =	ssyncset.done @!p0 $0x0  }
0x1f: {  	s21 =	simm.s32 $0x1;
	[sflag:s15] =	ssyncadd.s32 @!p0 $0xFFFFFF80  }
0x20: {  	_ =	swait.ge [sflag:s21], $0x80  }
0x21: {  	[sflag:s21] =	ssyncset.done $0x0  }
0x22: {  	[sflag:s21] =	ssyncadd.s32 $0xFFFFFF80  }
0x23: {  	_ =	swait.ge [sflag:s21], $0x80  }
0x24: {  	[sflag:s21] =	ssyncset.done $0x0  }
0x25: {  	[sflag:s21] =	ssyncadd.s32 $0xFFFFFF80  }
0x26: {  	_ =	swait.ge [sflag:s21], $0x80  }
0x27: {  	[sflag:s21] =	ssyncset.done $0x0  }
0x28: {  	[sflag:s21] =	ssyncadd.s32 $0xFFFFFF80  }
0x29: {  	_ =	swait.ge [sflag:s21], $0x80  }
0x2a: {  	s25 =	sadd.s32 s23, s22;
	[sflag:s21] =	ssyncset.done $0x0  }
0x2b: {  	s22 =	sadd.s32 $0x3600, s25;
	[sflag:s21] =	ssyncadd.s32 $0xFFFFFF80  }
0x2c: {  	[hbm4b:s22+s2] =	stream.linear.scatter [tilespmem:s6], [sflag:$0x3], $0x80, $0x38;
	[tilespmem:$0x500] =	vst v63  }
0x2d: {  	_ =	swait.ge [sflag:s3], $0x80  }
0x2e: {  	s26 =	ssub.s32 $0x2, s24;
	[sflag:s3] =	ssyncset.done $0x0  }
0x2f: {  	s28 =	sshrl.u32 s26, $0x1;
	s23 =	sadd.s32 $0x3610, s25;
	[sflag:s3] =	ssyncadd.s32 $0xFFFFFF80  }
0x30: {  	[hbm4b:s23+s2] =	stream.linear.scatter [tilespmem:s7], [sflag:$0x3], $0x80, $0x38;
	[tilespmem:$0x500] =	vst v63  }
0x31: {  	s26 =	ssub.s32 s26, s28;
	_ =	swait.ge [sflag:s3], $0x80  }
0x32: {  	s26 =	smax.u32 s26, $0x1;
	[sflag:s3] =	ssyncset.done $0x0  }
0x33: {  	s24 =	sadd.s32 $0x3620, s25;
	s26 =	sadd.s32 $0xFFFFFFFF, s26;
	[sflag:s3] =	ssyncadd.s32 $0xFFFFFF80  }
0x34: {  	[hbm4b:s24+s2] =	stream.linear.scatter [tilespmem:s10], [sflag:$0x3], $0x80, $0x38;
	[tilespmem:$0x500] =	vst v63  }
0x35: {  	p1 =	sne.s32 s26, $0x0;
	_ =	swait.ge [sflag:s3], $0x80  }
.Ltmp0:
0x36: {  	[sflag:s3] =	ssyncset.done $0x0;
	(pc) =	sbr.rel @!p1 .LBB2_2-.Ltmp0, $4  }
0x37: {  	s25 =	sadd.s32 $0x3630, s25;
	[sflag:s3] =	ssyncadd.s32 $0xFFFFFF80  }
0x38: {  	[hbm4b:s25+s2] =	stream.linear.scatter [tilespmem:s12], [sflag:$0x3], $0x80, $0x38;
	[tilespmem:$0x500] =	vst v63  }
0x39: {  	_ =	swait.ge [sflag:s3], $0x80  }
0x3a: {  	[sflag:s3] =	ssyncset.done $0x0  }
.LBB2_1:
0x3b: {  	s26 =	sadd.s32 $0xFFFFFFFF, s26;
	[sflag:s3] =	ssyncadd.s32 $0xFFFFFF80  }
0x3c: {  	[tilespmem:s2], [sflag:$0x3] =	stream.linear.gather [hbm4b:s4+s2], $0x200, $0x38;
	[tilespmem:$0x500] =	vst v63  }
0x3d: {  	p1 =	sne.s32 s26, $0x0;
	_ =	swait.ge [sflag:s3], $0x200  }
0x3e: {  	[sflag:s3] =	ssyncset.done $0x0  }
0x3f: {  	[sflag:s3] =	ssyncadd.s32 $0xFFFFFE00  }
0x40: {  	[tilespmem:s6], [sflag:$0x1] =	stream.indirect.gather [hbm4b:s1+s5], $0x1, s2, s5, $0xb8;
	[tilespmem:$0x500] =	vst v63  }
0x41: {  	_ = 	snop  }
0x42: {  	[tilespmem:s7], [sflag:$0x1] =	stream.indirect.gather [hbm4b:s1+s5], $0x1, s5, s5, $0xb8;
	[tilespmem:$0x500] =	vst v63  }
0x43: {  	_ = 	snop  }
0x44: {  	[tilespmem:s10], [sflag:$0x1] =	stream.indirect.gather [hbm4b:s1+s5], $0x1, s9, s5, $0xb8;
	[tilespmem:$0x500] =	vst v63  }
0x45: {  	_ = 	snop  }
0x46: {  	[tilespmem:s12], [sflag:$0x1] =	stream.indirect.gather [hbm4b:s1+s5], $0x1, s11, s5, $0xb8;
	[tilespmem:$0x500] =	vst v63  }
0x47: {  	_ = 	snop  }
0x48: {  	[tilespmem:s14], [sflag:$0x3] =	stream.linear.gather @!p0 [hbm4b:s8+s13], $0x80, $0x38;
	[tilespmem:$0x500] =	vst v63  }
0x49: {  	_ =	swait.ge @!p0 [sflag:s15], $0x80  }
0x4a: {  	[sflag:s15] =	ssyncset.done @!p0 $0x0  }
0x4b: {  	[sflag:s15] =	ssyncadd.s32 @!p0 $0xFFFFFF80  }
0x4c: {  	[tilespmem:s19], [sflag:$0x2] =	stream.indirect.gather @!p0 [hbm4b:s16+s18], $0x1, s14, s18, $0xb8;
	[tilespmem:$0x500] =	vst v63  }
0x4d: {  	_ =	swait.ge @!p0 [sflag:s17], $0x80  }
0x4e: {  	[sflag:s17] =	ssyncset.done @!p0 $0x0  }
0x4f: {  	[sflag:s17] =	ssyncadd.s32 @!p0 $0xFFFFFF80  }
0x50: {  	[hbm4b:s20+s13] =	stream.linear.scatter @!p0 [tilespmem:s19], [sflag:$0x3], $0x80, $0x38;
	[tilespmem:$0x500] =	vst v63  }
0x51: {  	_ =	swait.ge @!p0 [sflag:s15], $0x80  }
0x52: {  	[sflag:s15] =	ssyncset.done @!p0 $0x0  }
0x53: {  	[sflag:s15] =	ssyncadd.s32 @!p0 $0xFFFFFF80  }
0x54: {  	_ =	swait.ge [sflag:s21], $0x80  }
0x55: {  	[sflag:s21] =	ssyncset.done $0x0  }
0x56: {  	[sflag:s21] =	ssyncadd.s32 $0xFFFFFF80  }
0x57: {  	_ =	swait.ge [sflag:s21], $0x80  }
0x58: {  	[sflag:s21] =	ssyncset.done $0x0  }
0x59: {  	[sflag:s21] =	ssyncadd.s32 $0xFFFFFF80  }
0x5a: {  	_ =	swait.ge [sflag:s21], $0x80  }
0x5b: {  	[sflag:s21] =	ssyncset.done $0x0  }
0x5c: {  	[sflag:s21] =	ssyncadd.s32 $0xFFFFFF80  }
0x5d: {  	_ =	swait.ge [sflag:s21], $0x80  }
0x5e: {  	[sflag:s21] =	ssyncset.done $0x0  }
0x5f: {  	[sflag:s21] =	ssyncadd.s32 $0xFFFFFF80  }
0x60: {  	[hbm4b:s22+s2] =	stream.linear.scatter [tilespmem:s6], [sflag:$0x3], $0x80, $0x38;
	[tilespmem:$0x500] =	vst v63  }
0x61: {  	_ =	swait.ge [sflag:s3], $0x80  }
0x62: {  	[sflag:s3] =	ssyncset.done $0x0  }
0x63: {  	[sflag:s3] =	ssyncadd.s32 $0xFFFFFF80  }
0x64: {  	[hbm4b:s23+s2] =	stream.linear.scatter [tilespmem:s7], [sflag:$0x3], $0x80, $0x38;
	[tilespmem:$0x500] =	vst v63  }
0x65: {  	_ =	swait.ge [sflag:s3], $0x80  }
0x66: {  	[sflag:s3] =	ssyncset.done $0x0  }
0x67: {  	[sflag:s3] =	ssyncadd.s32 $0xFFFFFF80  }
0x68: {  	[hbm4b:s24+s2] =	stream.linear.scatter [tilespmem:s10], [sflag:$0x3], $0x80, $0x38;
	[tilespmem:$0x500] =	vst v63  }
0x69: {  	_ =	swait.ge [sflag:s3], $0x80  }
.Ltmp1:
0x6a: {  	[sflag:s3] =	ssyncset.done $0x0;
	(pc) =	sbr.rel @p1 .LBB2_1-.Ltmp1, $4  }
0x6b: {  	[sflag:s3] =	ssyncadd.s32 $0xFFFFFF80  }
0x6c: {  	[hbm4b:s25+s2] =	stream.linear.scatter [tilespmem:s12], [sflag:$0x3], $0x80, $0x38;
	[tilespmem:$0x500] =	vst v63  }
0x6d: {  	_ =	swait.ge [sflag:s3], $0x80  }
0x6e: {  	[sflag:s3] =	ssyncset.done $0x0  }
.LBB2_2:
0x6f: {  	[sflag:s3] =	ssyncadd.s32 $0xFFFFFF80  }
0x70: {  	_ =	sfence.sel $0x180000  }
0x71: {  	[bflag:$0x0] =	sbarrier.arrive $0xFFFF  }
0x72: {  	_ =	strace $0x90000047  }
0x73: {  	s0 =	sadd.s32 @!p0 $0x100000, s0;
	[bflag:$0x2] =	sbarrier.arrive $0xFFFF  }
0x74: {  	[sflag:s0] =	ssyncadd.tile.s32 @!p0 $0x1;
	_ =	shalt  }
.Lfunc_end2:
_tile_overlayer_lowered:
.L_overlay_start_2:
0x75: {  	(tag) =	ssettag $0x2  }
0x76: {  	s0 =	rddreg [dreg:$0x0];
	s2 =	stileid.u32  }
0x77: {  	s1 =	rddreg [dreg:$0x1];
	p0 =	sne.s32 s2, $0x0  }
0x78: {  	s3 =	rddreg [dreg:$0x2];
	[bflag:$0x3] =	sbarrier.arrive $0xFFFF;
	s2 =	simm.s32 @!p0 $0x1C03  }
0x79: {  	[timem:s3], [sflag:s2] =	dma.local @!p0 [hbm:s0], s1  }
0x7a: {  	s0 =	simm.s32 @!p0 $0x3  }
0x7b: {  	_ =	swait.ge @!p0 [sflag:s0], s1  }
0x7c: {  	s1 =	ssub.s32 @!p0 $0x0, s1;
	[sflag:s0] =	ssyncset.done @!p0 $0x0  }
0x7d: {  	[sflag:s0] =	ssyncadd.s32 @!p0 s1  }
0x7e: {  	[bflag:$0x3] =	sbarrier.arrive $0xFFFF  }
0x7f: {  	_ =	shalt  }

</sc_bundles>
